<compile_context>
chip_gen: v7x
topology: tpu7x:2x2x1
jax: 0.10.2.dev20260603
libtpu: 0.0.44.dev20260713+nightly
codegen_flags: <defaults>
</compile_context>

<pallas_src>
import functools

import jax
import jax.numpy as jnp
from jax import lax
from jax.experimental import pallas as pl
from jax.experimental.pallas import tpu as pltpu
from jax.experimental.pallas import tpu_sc as plsc

NUM_CODES = 8192
DIM = 64
ROW_BLK = 256
COL_BLK = 1024

_SC_INFO = plsc.get_sparse_core_info()
_NC = _SC_INFO.num_cores
_NS = _SC_INFO.num_subcores
_L = _SC_INFO.num_lanes
_NW = _NC * _NS


def _argmin_body(v_ref, cbt_ref, idx_ref, vq_ref, cbsq_ref):
    pid = pl.program_id(0)

    @pl.when(pid == 0)
    def _prep():
        cbt = cbt_ref[...]
        cbsq_ref[...] = jnp.sum(cbt * cbt, axis=0, keepdims=True)

    v = v_ref[...]
    vsq = jnp.sum(v * v, axis=1, keepdims=True)
    v2 = v * (-2.0)
    runm = jnp.full((ROW_BLK, COL_BLK), jnp.inf, dtype=jnp.float32)
    runc = jnp.zeros((ROW_BLK, COL_BLK), dtype=jnp.int32)
    for k in range(NUM_CODES // COL_BLK):
        cbt = cbt_ref[:, pl.ds(k * COL_BLK, COL_BLK)]
        mm2 = lax.dot_general(v2, cbt, (((1,), (0,)), ((), ())),
                              preferred_element_type=jnp.float32)
        cbsq = cbsq_ref[:, pl.ds(k * COL_BLK, COL_BLK)]
        d = (vsq + cbsq) + mm2
        lt = d < runm
        runm = jnp.where(lt, d, runm)
        runc = jnp.where(lt, jnp.int32(k), runc)
    rowmin = jnp.min(runm, axis=1)
    lane = lax.broadcasted_iota(jnp.int32, (ROW_BLK, COL_BLK), 1)
    gidx = runc * COL_BLK + lane
    cand = jnp.where(runm == rowmin[:, None], gidx, jnp.int32(2**30))
    idx_ref[0, 0, :] = jnp.min(cand, axis=1)

    @pl.when(pid == 0)
    def _init():
        vq_ref[...] = jnp.zeros((1, 1), jnp.float32)

    vq_ref[...] += jnp.sum(rowmin).reshape(1, 1)


def _nearest(vectors, codebook_t):
    n = vectors.shape[0]
    nblk = n // ROW_BLK
    idx3, vq_sum = pl.pallas_call(
        _argmin_body,
        grid=(nblk,),
        in_specs=[
            pl.BlockSpec((ROW_BLK, DIM), lambda i: (i, 0)),
            pl.BlockSpec((DIM, NUM_CODES), lambda i: (0, 0)),
        ],
        out_specs=[
            pl.BlockSpec((1, 1, ROW_BLK), lambda i: (i, 0, 0)),
            pl.BlockSpec((1, 1), lambda i: (0, 0)),
        ],
        out_shape=[
            jax.ShapeDtypeStruct((nblk, 1, ROW_BLK), jnp.int32),
            jax.ShapeDtypeStruct((1, 1), jnp.float32),
        ],
        scratch_shapes=[pltpu.VMEM((1, NUM_CODES), jnp.float32)],
    )(vectors, codebook_t)
    return idx3.reshape(n), vq_sum.reshape(())


_GCHUNK = 128
_PAD_D = 128


def _sc_gather_hist(n):
    per_w = n // _NW
    mesh = plsc.VectorSubcoreMesh(core_axis_name="c", subcore_axis_name="s")

    @functools.partial(
        pl.kernel,
        mesh=mesh,
        out_type=[
            jax.ShapeDtypeStruct((n, _PAD_D), jnp.float32),
            jax.ShapeDtypeStruct((_NW, NUM_CODES), jnp.float32),
        ],
        scratch_types=[
            pltpu.VMEM((per_w,), jnp.int32),
            pltpu.VMEM((per_w, _PAD_D), jnp.float32),
            pltpu.VMEM((NUM_CODES,), jnp.float32),
            pltpu.SemaphoreType.DMA,
        ],
        compiler_params=pltpu.CompilerParams(needs_layout_passes=False),
    )
    def body(idx_hbm, cb_hbm, rows_out, hist_out, idx_v, rows_v, hist_v, sem):
        wid = lax.axis_index("s") * _NC + lax.axis_index("c")
        base = wid * per_w
        pltpu.sync_copy(idx_hbm.at[pl.ds(base, per_w)], idx_v)
        copies = [
            pltpu.async_copy(
                cb_hbm.at[idx_v.at[pl.ds(k * _GCHUNK, _GCHUNK)]],
                rows_v.at[pl.ds(k * _GCHUNK, _GCHUNK)],
                sem,
            )
            for k in range(per_w // _GCHUNK)
        ]
        for c in copies:
            c.wait()
        pltpu.sync_copy(rows_v, rows_out.at[pl.ds(base, per_w)])

        def _zero(i, carry):
            hist_v[pl.ds(i * _L, _L)] = jnp.zeros((_L,), jnp.float32)
            return carry

        lax.fori_loop(0, NUM_CODES // _L, _zero, 0)
        ones = jnp.ones((_L,), jnp.float32)
        full = jnp.ones((_L,), jnp.bool_)

        def _acc(i, carry):
            iv = idx_v[pl.ds(i * _L, _L)]
            plsc.addupdate_scatter(hist_v, [iv], ones, mask=full)
            return carry

        lax.fori_loop(0, per_w // _L, _acc, 0)
        pltpu.sync_copy(hist_v, hist_out.at[wid])

    return body


def _stats_body(h_ref, perp_ref, act_ref):
    counts = jnp.sum(h_ref[...], axis=0, keepdims=True)
    total = jnp.sum(counts)
    probs = counts / total
    ent = jnp.sum(probs * jnp.log(probs + 1e-10))
    perp_ref[...] = jnp.exp(-ent).reshape(1, 1)
    act_ref[...] = jnp.sum((counts > 0).astype(jnp.float32)).reshape(1, 1)


def _stats(hist):
    perp, act = pl.pallas_call(
        _stats_body,
        out_shape=[
            jax.ShapeDtypeStruct((1, 1), jnp.float32),
            jax.ShapeDtypeStruct((1, 1), jnp.float32),
        ],
    )(hist)
    return perp.reshape(()), act.reshape(())


def kernel(z, codebook):
    B, C, H, W = z.shape
    n = B * H * W
    vectors = jnp.transpose(z, (0, 2, 3, 1)).reshape(n, C)
    indices, vq_sum = _nearest(vectors, codebook.T)

    cb_pad = jnp.pad(codebook, ((0, 0), (0, _PAD_D - C)))
    qrows, hist = _sc_gather_hist(n)(indices, cb_pad)

    quantized = jnp.transpose(qrows[:, :C].reshape(B, H, W, C), (0, 3, 1, 2))
    vq_loss = vq_sum / jnp.float32(n * C)
    perplexity, active = _stats(hist)
    return (quantized, indices, vq_loss, perplexity, active)

# --- scband reference (transcript-rebuilt; emitter-appended) ---
"""Pipeline reference for scband-emavector-quantizer-42262478193133 (READ-ONLY COPY).

The authoritative reference and input builder live on the scoring server;
editing this copy changes nothing except your own understanding.
"""

import jax, jax.numpy as jnp
import numpy as np

NUM_EMBEDDINGS = 8192
EMBED_DIM = 64
QUERY_CHUNK = 4096


def setup_inputs(seed: int = 0) -> dict:
    key = jax.random.key(seed)
    k1, k2 = jax.random.split(key)
    z = jax.random.normal(k1, (16, 64, 32, 32), dtype=jnp.float32)
    bound = 1.0 / np.sqrt(EMBED_DIM)
    codebook = jax.random.uniform(k2, (NUM_EMBEDDINGS, EMBED_DIM), minval=-bound, maxval=bound, dtype=jnp.float32)
    return {"z": z, "codebook": codebook}


def _nearest_indices(vectors, codebook):
    # chunked fp32 squared-L2 distance + argmin, mirroring _nearest_indices
    v = vectors.astype(jnp.float32)
    cb = codebook.astype(jnp.float32)
    cb_sq = jnp.sum(cb ** 2, axis=1)[None, :]
    chunks = []
    n = v.shape[0]
    for start in range(0, n, QUERY_CHUNK):
        chunk = v[start:start + QUERY_CHUNK]
        d = jnp.sum(chunk ** 2, axis=1, keepdims=True) + cb_sq - 2.0 * (chunk @ cb.T)
        chunks.append(jnp.argmin(d, axis=1))
    return jnp.concatenate(chunks, axis=0)


def reference(z, codebook):
    B, C, H, W = z.shape
    vectors = jnp.transpose(z, (0, 2, 3, 1)).reshape(B * H * W, C)
    indices = _nearest_indices(vectors, codebook)
    quantized_vec = jnp.take(codebook, indices, axis=0)
    quantized = jnp.transpose(quantized_vec.reshape(B, H, W, C), (0, 3, 1, 2))
    # commitment loss (EMA quantizer: only commitment term trains the encoder)
    vq_loss = jnp.mean((jax.lax.stop_gradient(quantized) - z) ** 2)
    # straight-through estimator
    quantized_st = z + jax.lax.stop_gradient(quantized - z)
    counts = jnp.bincount(indices, length=NUM_EMBEDDINGS).astype(jnp.float32)
    probs = counts / jnp.sum(counts)
    perplexity = jnp.exp(-jnp.sum(probs * jnp.log(probs + 1e-10)))
    active_codes = jnp.sum(counts > 0).astype(jnp.float32)
    return (quantized_st, indices, vq_loss, perplexity, active_codes)

if __name__ == "__main__":
    import jax
    _d = setup_inputs()
    print(jax.jit(kernel)(*tuple(_d.values())))

</pallas_src>

<mosaic_0001>
#map = affine_map<(d0, d1) -> (0)>
#map1 = affine_map<(d0, d1) -> (0, 0)>
module attributes {stable_mosaic.version = 14 : i64} {
  func.func @body(%arg0: i32, %arg1: i32, %arg2: memref<16384xi32, #tpu.memory_space<hbm>>, %arg3: memref<8192x128xf32, #tpu.memory_space<hbm>>, %arg4: memref<16384x128xf32, #tpu.memory_space<hbm>>, %arg5: memref<32x8192xf32, #tpu.memory_space<hbm>>, %arg6: memref<512xi32, #tpu.memory_space<vmem>>, %arg7: memref<512x128xf32, #tpu.memory_space<vmem>>, %arg8: memref<8192xf32, #tpu.memory_space<vmem>>, %arg9: memref<!tpu.dma_semaphore, #tpu.memory_space<semaphore_mem>>) attributes {dimension_semantics = [#tpu.dimension_semantics<core_parallel>, #tpu.dimension_semantics<subcore_parallel>], iteration_bounds = array<i64: 2, 16>, scalar_prefetch = 0 : i64, scratch_operands = 4 : i64, tpu.core_type = #tpu.core_type<sc_vector_subcore>, window_params = [{transform_indices = #map}, {transform_indices = #map1}, {transform_indices = #map1}, {transform_indices = #map1}]} {
    %mul3A = arith.constant 2 : i32
    %mul3A_0 = arith.muli %arg1, %mul3A : i32
    %add3A = arith.addi %mul3A_0, %arg0 : i32
    %mul3A_1 = arith.constant 512 : i32
    %mul3A_2 = arith.muli %add3A, %mul3A_1 : i32
    "tpu.region"() ({
      %run_scoped3A = tpu.sem_alloc : memref<!tpu.dma_semaphore, #tpu.memory_space<semaphore_mem>>
      %dma_start3A_79 = tpu.memref_slice %arg2[%mul3A_2] : memref<16384xi32, #tpu.memory_space<hbm>> -> memref<512xi32, #tpu.memory_space<hbm>>
      %dma_start3A_80 = tpu.memref_slice %arg2[%mul3A_2] : memref<16384xi32, #tpu.memory_space<hbm>> -> memref<512xi32, #tpu.memory_space<hbm>>
      tpu.enqueue_dma source(%dma_start3A_80 : memref<512xi32, #tpu.memory_space<hbm>>) target(%arg6 : memref<512xi32, #tpu.memory_space<vmem>>) target_semaphore(%run_scoped3A : memref<!tpu.dma_semaphore, #tpu.memory_space<semaphore_mem>>)
      %dma_wait3A_81 = tpu.memref_slice %arg2[%mul3A_2] : memref<16384xi32, #tpu.memory_space<hbm>> -> memref<512xi32, #tpu.memory_space<hbm>>
      %dma_wait3A_82 = tpu.memref_slice %arg2[%mul3A_2] : memref<16384xi32, #tpu.memory_space<hbm>> -> memref<512xi32, #tpu.memory_space<hbm>>
      tpu.wait_dma2 semaphore(%run_scoped3A : memref<!tpu.dma_semaphore, #tpu.memory_space<semaphore_mem>>) src(%dma_wait3A_82 : memref<512xi32, #tpu.memory_space<hbm>>) dst(%arg6 : memref<512xi32, #tpu.memory_space<vmem>>)
      tpu.yield
    }) : () -> ()
    %dma_start3A = arith.constant 0 : i32
    %dma_start3A_3 = arith.constant 0 : i32
    %dma_start3A_4 = tpu.memref_slice %arg7[%dma_start3A, %dma_start3A_3] : memref<512x128xf32, #tpu.memory_space<vmem>> -> memref<128x128xf32, #tpu.memory_space<vmem>>
    %dma_start3A_5 = arith.constant 0 : i32
    %dma_start3A_6 = tpu.memref_slice %arg6[%dma_start3A_5] : memref<512xi32, #tpu.memory_space<vmem>> -> memref<128xi32, #tpu.memory_space<vmem>>
    %dma_start3A_7 = arith.constant 0 : i32
    %dma_start3A_8 = arith.constant 0 : i32
    %dma_start3A_9 = tpu.memref_slice %arg3[%dma_start3A_7, %dma_start3A_8] : memref<8192x128xf32, #tpu.memory_space<hbm>> -> memref<8192x128xf32, #tpu.memory_space<hbm>>
    tpu.enqueue_indirect_dma source(%dma_start3A_9 : memref<8192x128xf32, #tpu.memory_space<hbm>>) target(%dma_start3A_4 : memref<128x128xf32, #tpu.memory_space<vmem>>) offsets(%dma_start3A_6 : memref<128xi32, #tpu.memory_space<vmem>>) semaphore(%arg9 : memref<!tpu.dma_semaphore, #tpu.memory_space<semaphore_mem>>)
    %dma_start3A_10 = arith.constant 128 : i32
    %dma_start3A_11 = arith.constant 0 : i32
    %dma_start3A_12 = tpu.memref_slice %arg7[%dma_start3A_10, %dma_start3A_11] : memref<512x128xf32, #tpu.memory_space<vmem>> -> memref<128x128xf32, #tpu.memory_space<vmem>>
    %dma_start3A_13 = arith.constant 128 : i32
    %dma_start3A_14 = tpu.memref_slice %arg6[%dma_start3A_13] : memref<512xi32, #tpu.memory_space<vmem>> -> memref<128xi32, #tpu.memory_space<vmem>>
    %dma_start3A_15 = arith.constant 0 : i32
    %dma_start3A_16 = arith.constant 0 : i32
    %dma_start3A_17 = tpu.memref_slice %arg3[%dma_start3A_15, %dma_start3A_16] : memref<8192x128xf32, #tpu.memory_space<hbm>> -> memref<8192x128xf32, #tpu.memory_space<hbm>>
    tpu.enqueue_indirect_dma source(%dma_start3A_17 : memref<8192x128xf32, #tpu.memory_space<hbm>>) target(%dma_start3A_12 : memref<128x128xf32, #tpu.memory_space<vmem>>) offsets(%dma_start3A_14 : memref<128xi32, #tpu.memory_space<vmem>>) semaphore(%arg9 : memref<!tpu.dma_semaphore, #tpu.memory_space<semaphore_mem>>)
    %dma_start3A_18 = arith.constant 256 : i32
    %dma_start3A_19 = arith.constant 0 : i32
    %dma_start3A_20 = tpu.memref_slice %arg7[%dma_start3A_18, %dma_start3A_19] : memref<512x128xf32, #tpu.memory_space<vmem>> -> memref<128x128xf32, #tpu.memory_space<vmem>>
    %dma_start3A_21 = arith.constant 256 : i32
    %dma_start3A_22 = tpu.memref_slice %arg6[%dma_start3A_21] : memref<512xi32, #tpu.memory_space<vmem>> -> memref<128xi32, #tpu.memory_space<vmem>>
    %dma_start3A_23 = arith.constant 0 : i32
    %dma_start3A_24 = arith.constant 0 : i32
    %dma_start3A_25 = tpu.memref_slice %arg3[%dma_start3A_23, %dma_start3A_24] : memref<8192x128xf32, #tpu.memory_space<hbm>> -> memref<8192x128xf32, #tpu.memory_space<hbm>>
    tpu.enqueue_indirect_dma source(%dma_start3A_25 : memref<8192x128xf32, #tpu.memory_space<hbm>>) target(%dma_start3A_20 : memref<128x128xf32, #tpu.memory_space<vmem>>) offsets(%dma_start3A_22 : memref<128xi32, #tpu.memory_space<vmem>>) semaphore(%arg9 : memref<!tpu.dma_semaphore, #tpu.memory_space<semaphore_mem>>)
    %dma_start3A_26 = arith.constant 384 : i32
    %dma_start3A_27 = arith.constant 0 : i32
    %dma_start3A_28 = tpu.memref_slice %arg7[%dma_start3A_26, %dma_start3A_27] : memref<512x128xf32, #tpu.memory_space<vmem>> -> memref<128x128xf32, #tpu.memory_space<vmem>>
    %dma_start3A_29 = arith.constant 384 : i32
    %dma_start3A_30 = tpu.memref_slice %arg6[%dma_start3A_29] : memref<512xi32, #tpu.memory_space<vmem>> -> memref<128xi32, #tpu.memory_space<vmem>>
    %dma_start3A_31 = arith.constant 0 : i32
    %dma_start3A_32 = arith.constant 0 : i32
    %dma_start3A_33 = tpu.memref_slice %arg3[%dma_start3A_31, %dma_start3A_32] : memref<8192x128xf32, #tpu.memory_space<hbm>> -> memref<8192x128xf32, #tpu.memory_space<hbm>>
    tpu.enqueue_indirect_dma source(%dma_start3A_33 : memref<8192x128xf32, #tpu.memory_space<hbm>>) target(%dma_start3A_28 : memref<128x128xf32, #tpu.memory_space<vmem>>) offsets(%dma_start3A_30 : memref<128xi32, #tpu.memory_space<vmem>>) semaphore(%arg9 : memref<!tpu.dma_semaphore, #tpu.memory_space<semaphore_mem>>)
    %dma_wait3A = arith.constant 0 : i32
    %dma_wait3A_34 = arith.constant 0 : i32
    %dma_wait3A_35 = tpu.memref_slice %arg7[%dma_wait3A, %dma_wait3A_34] : memref<512x128xf32, #tpu.memory_space<vmem>> -> memref<128x128xf32, #tpu.memory_space<vmem>>
    %dma_wait3A_36 = arith.constant 0 : i32
    %dma_wait3A_37 = tpu.memref_slice %arg6[%dma_wait3A_36] : memref<512xi32, #tpu.memory_space<vmem>> -> memref<128xi32, #tpu.memory_space<vmem>>
    %dma_wait3A_38 = arith.constant 0 : i32
    %dma_wait3A_39 = arith.constant 0 : i32
    %dma_wait3A_40 = tpu.memref_slice %arg3[%dma_wait3A_38, %dma_wait3A_39] : memref<8192x128xf32, #tpu.memory_space<hbm>> -> memref<8192x128xf32, #tpu.memory_space<hbm>>
    tpu.wait_indirect_dma semaphore(%arg9 : memref<!tpu.dma_semaphore, #tpu.memory_space<semaphore_mem>>) src(%dma_wait3A_40 : memref<8192x128xf32, #tpu.memory_space<hbm>>) dst(%dma_wait3A_35 : memref<128x128xf32, #tpu.memory_space<vmem>>)
    %dma_wait3A_41 = arith.constant 128 : i32
    %dma_wait3A_42 = arith.constant 0 : i32
    %dma_wait3A_43 = tpu.memref_slice %arg7[%dma_wait3A_41, %dma_wait3A_42] : memref<512x128xf32, #tpu.memory_space<vmem>> -> memref<128x128xf32, #tpu.memory_space<vmem>>
    %dma_wait3A_44 = arith.constant 128 : i32
    %dma_wait3A_45 = tpu.memref_slice %arg6[%dma_wait3A_44] : memref<512xi32, #tpu.memory_space<vmem>> -> memref<128xi32, #tpu.memory_space<vmem>>
    %dma_wait3A_46 = arith.constant 0 : i32
    %dma_wait3A_47 = arith.constant 0 : i32
    %dma_wait3A_48 = tpu.memref_slice %arg3[%dma_wait3A_46, %dma_wait3A_47] : memref<8192x128xf32, #tpu.memory_space<hbm>> -> memref<8192x128xf32, #tpu.memory_space<hbm>>
    tpu.wait_indirect_dma semaphore(%arg9 : memref<!tpu.dma_semaphore, #tpu.memory_space<semaphore_mem>>) src(%dma_wait3A_48 : memref<8192x128xf32, #tpu.memory_space<hbm>>) dst(%dma_wait3A_43 : memref<128x128xf32, #tpu.memory_space<vmem>>)
    %dma_wait3A_49 = arith.constant 256 : i32
    %dma_wait3A_50 = arith.constant 0 : i32
    %dma_wait3A_51 = tpu.memref_slice %arg7[%dma_wait3A_49, %dma_wait3A_50] : memref<512x128xf32, #tpu.memory_space<vmem>> -> memref<128x128xf32, #tpu.memory_space<vmem>>
    %dma_wait3A_52 = arith.constant 256 : i32
    %dma_wait3A_53 = tpu.memref_slice %arg6[%dma_wait3A_52] : memref<512xi32, #tpu.memory_space<vmem>> -> memref<128xi32, #tpu.memory_space<vmem>>
    %dma_wait3A_54 = arith.constant 0 : i32
    %dma_wait3A_55 = arith.constant 0 : i32
    %dma_wait3A_56 = tpu.memref_slice %arg3[%dma_wait3A_54, %dma_wait3A_55] : memref<8192x128xf32, #tpu.memory_space<hbm>> -> memref<8192x128xf32, #tpu.memory_space<hbm>>
    tpu.wait_indirect_dma semaphore(%arg9 : memref<!tpu.dma_semaphore, #tpu.memory_space<semaphore_mem>>) src(%dma_wait3A_56 : memref<8192x128xf32, #tpu.memory_space<hbm>>) dst(%dma_wait3A_51 : memref<128x128xf32, #tpu.memory_space<vmem>>)
    %dma_wait3A_57 = arith.constant 384 : i32
    %dma_wait3A_58 = arith.constant 0 : i32
    %dma_wait3A_59 = tpu.memref_slice %arg7[%dma_wait3A_57, %dma_wait3A_58] : memref<512x128xf32, #tpu.memory_space<vmem>> -> memref<128x128xf32, #tpu.memory_space<vmem>>
    %dma_wait3A_60 = arith.constant 384 : i32
    %dma_wait3A_61 = tpu.memref_slice %arg6[%dma_wait3A_60] : memref<512xi32, #tpu.memory_space<vmem>> -> memref<128xi32, #tpu.memory_space<vmem>>
    %dma_wait3A_62 = arith.constant 0 : i32
    %dma_wait3A_63 = arith.constant 0 : i32
    %dma_wait3A_64 = tpu.memref_slice %arg3[%dma_wait3A_62, %dma_wait3A_63] : memref<8192x128xf32, #tpu.memory_space<hbm>> -> memref<8192x128xf32, #tpu.memory_space<hbm>>
    tpu.wait_indirect_dma semaphore(%arg9 : memref<!tpu.dma_semaphore, #tpu.memory_space<semaphore_mem>>) src(%dma_wait3A_64 : memref<8192x128xf32, #tpu.memory_space<hbm>>) dst(%dma_wait3A_59 : memref<128x128xf32, #tpu.memory_space<vmem>>)
    "tpu.region"() ({
      %run_scoped3A = tpu.sem_alloc : memref<!tpu.dma_semaphore, #tpu.memory_space<semaphore_mem>>
      %dma_start3A_79 = arith.constant 0 : i32
      %dma_start3A_80 = tpu.memref_slice %arg4[%mul3A_2, %dma_start3A_79] : memref<16384x128xf32, #tpu.memory_space<hbm>> -> memref<512x128xf32, #tpu.memory_space<hbm>>
      %dma_start3A_81 = arith.constant 0 : i32
      %dma_start3A_82 = tpu.memref_slice %arg4[%mul3A_2, %dma_start3A_81] : memref<16384x128xf32, #tpu.memory_space<hbm>> -> memref<512x128xf32, #tpu.memory_space<hbm>>
      tpu.enqueue_dma source(%arg7 : memref<512x128xf32, #tpu.memory_space<vmem>>) target(%dma_start3A_82 : memref<512x128xf32, #tpu.memory_space<hbm>>) target_semaphore(%run_scoped3A : memref<!tpu.dma_semaphore, #tpu.memory_space<semaphore_mem>>)
      %dma_wait3A_83 = arith.constant 0 : i32
      %dma_wait3A_84 = tpu.memref_slice %arg4[%mul3A_2, %dma_wait3A_83] : memref<16384x128xf32, #tpu.memory_space<hbm>> -> memref<512x128xf32, #tpu.memory_space<hbm>>
      %dma_wait3A_85 = arith.constant 0 : i32
      %dma_wait3A_86 = tpu.memref_slice %arg4[%mul3A_2, %dma_wait3A_85] : memref<16384x128xf32, #tpu.memory_space<hbm>> -> memref<512x128xf32, #tpu.memory_space<hbm>>
      tpu.wait_dma2 semaphore(%run_scoped3A : memref<!tpu.dma_semaphore, #tpu.memory_space<semaphore_mem>>) src(%arg7 : memref<512x128xf32, #tpu.memory_space<vmem>>) dst(%dma_wait3A_86 : memref<512x128xf32, #tpu.memory_space<hbm>>)
      tpu.yield
    }) : () -> ()
    %scan3A = arith.constant 0 : i32
    %scan3A_65 = arith.constant 0 : i32
    %scan3A_66 = arith.constant 512 : i32
    %scan3A_67 = arith.addi %scan3A_65, %scan3A_66 : i32
    %scan3A_68 = arith.constant 1 : i32
    scf.for %scan3A_79 = %scan3A_65 to %scan3A_67 step %scan3A_68  : i32 {
      %broadcast_in_dim3A_80 = arith.constant 0.000000e+00 : f32
      %broadcast_in_dim3A_81 = vector.broadcast %broadcast_in_dim3A_80 : f32 to vector<16xf32>
      %mul3A_82 = arith.constant 16 : i32
      %mul3A_83 = arith.muli %scan3A_79, %mul3A_82 : i32
      %swap3A = arith.index_cast %mul3A_83 : i32 to index
      %swap3A_84 = tpu.vector_load %arg8[%swap3A] {strides = array<i32>} : memref<8192xf32, #tpu.memory_space<vmem>>, vector<16xf32>,
      tpu.vector_store %arg8[%swap3A], %broadcast_in_dim3A_81 {strides = array<i32>} : memref<8192xf32, #tpu.memory_space<vmem>>, vector<16xf32>,
    }
    %scan3A_69 = arith.constant 512 : i32
    %broadcast_in_dim3A = arith.constant 1.000000e+00 : f32
    %broadcast_in_dim3A_70 = vector.broadcast %broadcast_in_dim3A : f32 to vector<16xf32>
    %broadcast_in_dim3A_71 = arith.constant true
    %broadcast_in_dim3A_72 = vector.broadcast %broadcast_in_dim3A_71 : i1 to vector<16xi1>
    %scan3A_73 = arith.constant 0 : i32
    %scan3A_74 = arith.constant 0 : i32
    %scan3A_75 = arith.constant 32 : i32
    %scan3A_76 = arith.addi %scan3A_74, %scan3A_75 : i32
    %scan3A_77 = arith.constant 1 : i32
    scf.for %scan3A_79 = %scan3A_74 to %scan3A_76 step %scan3A_77  : i32 {
      %mul3A_80 = arith.constant 16 : i32
      %mul3A_81 = arith.muli %scan3A_79, %mul3A_80 : i32
      %get3A = arith.index_cast %mul3A_81 : i32 to index
      %get3A_82 = tpu.vector_load %arg6[%get3A] {strides = array<i32>} : memref<512xi32, #tpu.memory_space<vmem>>, vector<16xi32>,
      tpu.vector_store_idx %arg8[%get3A_82], %broadcast_in_dim3A_70 masked %broadcast_in_dim3A_72 {add = true} : memref<8192xf32, #tpu.memory_space<vmem>>[vector<16xi32>], vector<16xf32>, vector<16xi1>
    }
    %scan3A_78 = arith.constant 32 : i32
    "tpu.region"() ({
      %run_scoped3A = tpu.sem_alloc : memref<!tpu.dma_semaphore, #tpu.memory_space<semaphore_mem>>
      %dma_start3A_79 = arith.constant 0 : i32
      %dma_start3A_80 = tpu.memref_slice %arg5[%add3A, %dma_start3A_79] : memref<32x8192xf32, #tpu.memory_space<hbm>> -> memref<1x8192xf32, #tpu.memory_space<hbm>>
      %dma_start3A_81 = tpu.memref_squeeze %dma_start3A_80 : memref<1x8192xf32, #tpu.memory_space<hbm>> -> memref<8192xf32, #tpu.memory_space<hbm>>
      %dma_start3A_82 = arith.constant 0 : i32
      %dma_start3A_83 = tpu.memref_slice %arg5[%add3A, %dma_start3A_82] : memref<32x8192xf32, #tpu.memory_space<hbm>> -> memref<1x8192xf32, #tpu.memory_space<hbm>>
      %dma_start3A_84 = tpu.memref_squeeze %dma_start3A_83 : memref<1x8192xf32, #tpu.memory_space<hbm>> -> memref<8192xf32, #tpu.memory_space<hbm>>
      tpu.enqueue_dma source(%arg8 : memref<8192xf32, #tpu.memory_space<vmem>>) target(%dma_start3A_84 : memref<8192xf32, #tpu.memory_space<hbm>>) target_semaphore(%run_scoped3A : memref<!tpu.dma_semaphore, #tpu.memory_space<semaphore_mem>>)
      %dma_wait3A_85 = arith.constant 0 : i32
      %dma_wait3A_86 = tpu.memref_slice %arg5[%add3A, %dma_wait3A_85] : memref<32x8192xf32, #tpu.memory_space<hbm>> -> memref<1x8192xf32, #tpu.memory_space<hbm>>
      %dma_wait3A_87 = tpu.memref_squeeze %dma_wait3A_86 : memref<1x8192xf32, #tpu.memory_space<hbm>> -> memref<8192xf32, #tpu.memory_space<hbm>>
      %dma_wait3A_88 = arith.constant 0 : i32
      %dma_wait3A_89 = tpu.memref_slice %arg5[%add3A, %dma_wait3A_88] : memref<32x8192xf32, #tpu.memory_space<hbm>> -> memref<1x8192xf32, #tpu.memory_space<hbm>>
      %dma_wait3A_90 = tpu.memref_squeeze %dma_wait3A_89 : memref<1x8192xf32, #tpu.memory_space<hbm>> -> memref<8192xf32, #tpu.memory_space<hbm>>
      tpu.wait_dma2 semaphore(%run_scoped3A : memref<!tpu.dma_semaphore, #tpu.memory_space<semaphore_mem>>) src(%arg8 : memref<8192xf32, #tpu.memory_space<vmem>>) dst(%dma_wait3A_90 : memref<8192xf32, #tpu.memory_space<hbm>>)
      tpu.yield
    }) : () -> ()
    return
  }
}

module attributes {stable_mosaic.version = 14 : i64} {
  func.func @_stats_body(%arg0: memref<32x8192xf32, #tpu.memory_space<vmem>>, %arg1: memref<1x1xf32, #tpu.memory_space<vmem>>, %arg2: memref<1x1xf32, #tpu.memory_space<vmem>>) attributes {dimension_semantics = [], scalar_prefetch = 0 : i64, scratch_operands = 0 : i64, tpu.core_type = #tpu.core_type<tc>} {
    %get3A = arith.constant 0 : index
    %get3A_0 = arith.constant 0 : index
    %get3A_1 = vector.load %arg0[%get3A, %get3A_0] : memref<32x8192xf32, #tpu.memory_space<vmem>>, vector<32x8192xf32>
    %reduce_sum3A = arith.constant dense<0.000000e+00> : vector<8192xf32>
    %reduce_sum3A_2 = vector.multi_reduction <add>, %get3A_1, %reduce_sum3A [0] : vector<32x8192xf32> to vector<8192xf32>
    %broadcast_in_dim3A = vector.shape_cast %reduce_sum3A_2 : vector<8192xf32> to vector<1x8192xf32>
    %reduce_sum3A_3 = vector.shape_cast %broadcast_in_dim3A : vector<1x8192xf32> to vector<1x1x8192xf32>
    %reduce_sum3A_4 = arith.constant dense<0.000000e+00> : vector<1xf32>
    %reduce_sum3A_5 = vector.multi_reduction <add>, %reduce_sum3A_3, %reduce_sum3A_4 [1, 2] : vector<1x1x8192xf32> to vector<1xf32>
    %reduce_sum3A_6 = vector.shape_cast %reduce_sum3A_5 : vector<1xf32> to vector<1x1x1xf32>
    %reduce_sum3A_7 = vector.extract %reduce_sum3A_6[0, 0, 0] : f32 from vector<1x1x1xf32>
    %div3A = vector.broadcast %reduce_sum3A_7 : f32 to vector<1x8192xf32>
    %div3A_8 = arith.divf %broadcast_in_dim3A, %div3A : vector<1x8192xf32>
    %add3A = arith.constant 1.000000e-10 : f32
    %add3A_9 = vector.broadcast %add3A : f32 to vector<1x8192xf32>
    %add3A_10 = arith.addf %div3A_8, %add3A_9 : vector<1x8192xf32>
    %log3A = math.log %add3A_10 : vector<1x8192xf32>
    %mul3A = arith.mulf %div3A_8, %log3A : vector<1x8192xf32>
    %reduce_sum3A_11 = vector.shape_cast %mul3A : vector<1x8192xf32> to vector<1x1x8192xf32>
    %reduce_sum3A_12 = arith.constant dense<0.000000e+00> : vector<1xf32>
    %reduce_sum3A_13 = vector.multi_reduction <add>, %reduce_sum3A_11, %reduce_sum3A_12 [1, 2] : vector<1x1x8192xf32> to vector<1xf32>
    %reduce_sum3A_14 = vector.shape_cast %reduce_sum3A_13 : vector<1xf32> to vector<1x1x1xf32>
    %reduce_sum3A_15 = vector.extract %reduce_sum3A_14[0, 0, 0] : f32 from vector<1x1x1xf32>
    %neg3A = arith.constant 0.000000e+00 : f32
    %neg3A_16 = arith.subf %neg3A, %reduce_sum3A_15 : f32
    %exp3A = math.exp %neg3A_16 : f32
    %reshape3A = vector.broadcast %exp3A : f32 to vector<1x1xf32>
    %swap3A = arith.constant 0 : index
    %swap3A_17 = arith.constant 0 : index
    %swap3A_18 = vector.load %arg1[%swap3A, %swap3A_17] : memref<1x1xf32, #tpu.memory_space<vmem>>, vector<1x1xf32>
    tpu.vector_store %arg1[%swap3A, %swap3A_17], %reshape3A {strides = array<i32>} : memref<1x1xf32, #tpu.memory_space<vmem>>, vector<1x1xf32>,
    %gt3A = arith.constant 0.000000e+00 : f32
    %gt3A_19 = vector.broadcast %gt3A : f32 to vector<1x8192xf32>
    %gt3A_20 = arith.cmpf ogt, %broadcast_in_dim3A, %gt3A_19 : vector<1x8192xf32>
    %convert_element_type3A = arith.extui %gt3A_20 : vector<1x8192xi1> to vector<1x8192xi32>
    %convert_element_type3A_21 = arith.sitofp %convert_element_type3A : vector<1x8192xi32> to vector<1x8192xf32>
    %reduce_sum3A_22 = vector.shape_cast %convert_element_type3A_21 : vector<1x8192xf32> to vector<1x1x8192xf32>
    %reduce_sum3A_23 = arith.constant dense<0.000000e+00> : vector<1xf32>
    %reduce_sum3A_24 = vector.multi_reduction <add>, %reduce_sum3A_22, %reduce_sum3A_23 [1, 2] : vector<1x1x8192xf32> to vector<1xf32>
    %reduce_sum3A_25 = vector.shape_cast %reduce_sum3A_24 : vector<1xf32> to vector<1x1x1xf32>
    %reduce_sum3A_26 = vector.extract %reduce_sum3A_25[0, 0, 0] : f32 from vector<1x1x1xf32>
    %reshape3A_27 = vector.broadcast %reduce_sum3A_26 : f32 to vector<1x1xf32>
    %swap3A_28 = arith.constant 0 : index
    %swap3A_29 = arith.constant 0 : index
    %swap3A_30 = vector.load %arg2[%swap3A_28, %swap3A_29] : memref<1x1xf32, #tpu.memory_space<vmem>>, vector<1x1xf32>
    tpu.vector_store %arg2[%swap3A_28, %swap3A_29], %reshape3A_27 {strides = array<i32>} : memref<1x1xf32, #tpu.memory_space<vmem>>, vector<1x1xf32>,
    return
  }
}

module attributes {stable_mosaic.version = 14 : i64} {
  func.func @_argmin_body(%arg0: i32, %arg1: memref<256x64xf32, #tpu.memory_space<vmem>>, %arg2: memref<64x8192xf32, #tpu.memory_space<vmem>>, %arg3: memref<1x1x256xi32, #tpu.memory_space<vmem>>, %arg4: memref<1x1xf32, #tpu.memory_space<vmem>>, %arg5: memref<1x8192xf32, #tpu.memory_space<vmem>>) attributes {dimension_semantics = [#tpu.dimension_semantics<arbitrary>], iteration_bounds = array<i64: 64>, scalar_prefetch = 0 : i64, scratch_operands = 1 : i64, tpu.core_type = #tpu.core_type<tc>, window_params = [{transform_indices = @transform_0, window_bounds = array<i64: 256, 64>}, {pipeline_mode = #tpu.pipeline_mode<synchronous>, transform_indices = @transform_1, window_bounds = array<i64: 64, 8192>}, {transform_indices = @transform_2, window_bounds = array<i64: 1, 1, 256>}, {pipeline_mode = #tpu.pipeline_mode<synchronous>, transform_indices = @transform_3, window_bounds = array<i64: 1, 1>}]} {
    %eq3A = arith.constant 0 : i32
    %eq3A_0 = arith.cmpi eq, %arg0, %eq3A : i32
    %convert_element_type3A = arith.extui %eq3A_0 : i1 to i32
    %cond3A = arith.constant 0 : i32
    %cond3A_1 = arith.cmpi ne, %convert_element_type3A, %cond3A : i32
    scf.if %cond3A_1 {
      %get3A_178 = arith.constant 0 : index
      %get3A_179 = arith.constant 0 : index
      %get3A_180 = vector.load %arg2[%get3A_178, %get3A_179] : memref<64x8192xf32, #tpu.memory_space<vmem>>, vector<64x8192xf32>
      %mul3A_181 = arith.mulf %get3A_180, %get3A_180 : vector<64x8192xf32>
      %reduce_sum3A_182 = arith.constant dense<0.000000e+00> : vector<8192xf32>
      %reduce_sum3A_183 = vector.multi_reduction <add>, %mul3A_181, %reduce_sum3A_182 [0] : vector<64x8192xf32> to vector<8192xf32>
      %broadcast_in_dim3A_184 = vector.shape_cast %reduce_sum3A_183 : vector<8192xf32> to vector<1x8192xf32>
      %swap3A_185 = arith.constant 0 : index
      %swap3A_186 = arith.constant 0 : index
      %swap3A_187 = vector.load %arg5[%swap3A_185, %swap3A_186] : memref<1x8192xf32, #tpu.memory_space<vmem>>, vector<1x8192xf32>
      tpu.vector_store %arg5[%swap3A_185, %swap3A_186], %broadcast_in_dim3A_184 {strides = array<i32>} : memref<1x8192xf32, #tpu.memory_space<vmem>>, vector<1x8192xf32>,
    } else {
    }
    %get3A = arith.constant 0 : index
    %get3A_2 = arith.constant 0 : index
    %get3A_3 = vector.load %arg1[%get3A, %get3A_2] : memref<256x64xf32, #tpu.memory_space<vmem>>, vector<256x64xf32>
    %mul3A = arith.mulf %get3A_3, %get3A_3 : vector<256x64xf32>
    %reduce_sum3A = arith.constant dense<0.000000e+00> : vector<256xf32>
    %reduce_sum3A_4 = vector.multi_reduction <add>, %mul3A, %reduce_sum3A [1] : vector<256x64xf32> to vector<256xf32>
    %broadcast_in_dim3A = vector.shape_cast %reduce_sum3A_4 : vector<256xf32> to vector<256x1xf32>
    %mul3A_5 = arith.constant -2.000000e+00 : f32
    %mul3A_6 = vector.broadcast %mul3A_5 : f32 to vector<256x64xf32>
    %mul3A_7 = arith.mulf %get3A_3, %mul3A_6 : vector<256x64xf32>
    %broadcast_in_dim3A_8 = arith.constant 0x7F800000 : f32
    %broadcast_in_dim3A_9 = vector.broadcast %broadcast_in_dim3A_8 : f32 to vector<256x1024xf32>
    %broadcast_in_dim3A_10 = arith.constant 0 : i32
    %broadcast_in_dim3A_11 = vector.broadcast %broadcast_in_dim3A_10 : i32 to vector<256x1024xi32>
    %get3A_12 = arith.constant 0 : index
    %get3A_13 = arith.constant 0 : index
    %get3A_14 = vector.load %arg2[%get3A_12, %get3A_13] : memref<64x8192xf32, #tpu.memory_space<vmem>>, vector<64x1024xf32>
    %dot_general3A = arith.constant dense<0.000000e+00> : vector<256x1024xf32>
    %dot_general3A_15 = tpu.matmul %mul3A_7, %get3A_14, %dot_general3A {dimension_numbers = #tpu.dot_dimension_numbers<[1], [0], [0], [1], [0, 0, 1, 1], [], []>, transpose_lhs_hint = false} : vector<256x64xf32>, vector<64x1024xf32>, vector<256x1024xf32> -> vector<256x1024xf32>
    %get3A_16 = arith.constant 0 : index
    %get3A_17 = arith.constant 0 : index
    %get3A_18 = vector.load %arg5[%get3A_16, %get3A_17] : memref<1x8192xf32, #tpu.memory_space<vmem>>, vector<1x1024xf32>
    %add3A = vector.broadcast %broadcast_in_dim3A : vector<256x1xf32> to vector<256x1024xf32>
    %add3A_19 = vector.broadcast %get3A_18 : vector<1x1024xf32> to vector<256x1024xf32>
    %add3A_20 = arith.addf %add3A, %add3A_19 : vector<256x1024xf32>
    %add3A_21 = arith.addf %add3A_20, %dot_general3A_15 : vector<256x1024xf32>
    %lt3A = arith.cmpf olt, %add3A_21, %broadcast_in_dim3A_9 : vector<256x1024xf32>
    %select_n3A = arith.select %lt3A, %add3A_21, %broadcast_in_dim3A_9 : vector<256x1024xi1>, vector<256x1024xf32>
    %jit3A = arith.constant 0 : i32
    %broadcast_in_dim3A_22 = vector.broadcast %jit3A : i32 to vector<256x1024xi32>
    %select_n3A_23 = arith.select %lt3A, %broadcast_in_dim3A_22, %broadcast_in_dim3A_11 : vector<256x1024xi1>, vector<256x1024xi32>
    %get3A_24 = arith.constant 0 : index
    %get3A_25 = arith.constant 1024 : index
    %get3A_26 = vector.load %arg2[%get3A_24, %get3A_25] : memref<64x8192xf32, #tpu.memory_space<vmem>>, vector<64x1024xf32>
    %dot_general3A_27 = arith.constant dense<0.000000e+00> : vector<256x1024xf32>
    %dot_general3A_28 = tpu.matmul %mul3A_7, %get3A_26, %dot_general3A_27 {dimension_numbers = #tpu.dot_dimension_numbers<[1], [0], [0], [1], [0, 0, 1, 1], [], []>, transpose_lhs_hint = false} : vector<256x64xf32>, vector<64x1024xf32>, vector<256x1024xf32> -> vector<256x1024xf32>
    %get3A_29 = arith.constant 0 : index
    %get3A_30 = arith.constant 1024 : index
    %get3A_31 = vector.load %arg5[%get3A_29, %get3A_30] : memref<1x8192xf32, #tpu.memory_space<vmem>>, vector<1x1024xf32>
    %add3A_32 = vector.broadcast %broadcast_in_dim3A : vector<256x1xf32> to vector<256x1024xf32>
    %add3A_33 = vector.broadcast %get3A_31 : vector<1x1024xf32> to vector<256x1024xf32>
    %add3A_34 = arith.addf %add3A_32, %add3A_33 : vector<256x1024xf32>
    %add3A_35 = arith.addf %add3A_34, %dot_general3A_28 : vector<256x1024xf32>
    %lt3A_36 = arith.cmpf olt, %add3A_35, %select_n3A : vector<256x1024xf32>
    %select_n3A_37 = arith.select %lt3A_36, %add3A_35, %select_n3A : vector<256x1024xi1>, vector<256x1024xf32>
    %jit3A_38 = arith.constant 1 : i32
    %broadcast_in_dim3A_39 = vector.broadcast %jit3A_38 : i32 to vector<256x1024xi32>
    %select_n3A_40 = arith.select %lt3A_36, %broadcast_in_dim3A_39, %select_n3A_23 : vector<256x1024xi1>, vector<256x1024xi32>
    %get3A_41 = arith.constant 0 : index
    %get3A_42 = arith.constant 2048 : index
    %get3A_43 = vector.load %arg2[%get3A_41, %get3A_42] : memref<64x8192xf32, #tpu.memory_space<vmem>>, vector<64x1024xf32>
    %dot_general3A_44 = arith.constant dense<0.000000e+00> : vector<256x1024xf32>
    %dot_general3A_45 = tpu.matmul %mul3A_7, %get3A_43, %dot_general3A_44 {dimension_numbers = #tpu.dot_dimension_numbers<[1], [0], [0], [1], [0, 0, 1, 1], [], []>, transpose_lhs_hint = false} : vector<256x64xf32>, vector<64x1024xf32>, vector<256x1024xf32> -> vector<256x1024xf32>
    %get3A_46 = arith.constant 0 : index
    %get3A_47 = arith.constant 2048 : index
    %get3A_48 = vector.load %arg5[%get3A_46, %get3A_47] : memref<1x8192xf32, #tpu.memory_space<vmem>>, vector<1x1024xf32>
    %add3A_49 = vector.broadcast %broadcast_in_dim3A : vector<256x1xf32> to vector<256x1024xf32>
    %add3A_50 = vector.broadcast %get3A_48 : vector<1x1024xf32> to vector<256x1024xf32>
    %add3A_51 = arith.addf %add3A_49, %add3A_50 : vector<256x1024xf32>
    %add3A_52 = arith.addf %add3A_51, %dot_general3A_45 : vector<256x1024xf32>
    %lt3A_53 = arith.cmpf olt, %add3A_52, %select_n3A_37 : vector<256x1024xf32>
    %select_n3A_54 = arith.select %lt3A_53, %add3A_52, %select_n3A_37 : vector<256x1024xi1>, vector<256x1024xf32>
    %jit3A_55 = arith.constant 2 : i32
    %broadcast_in_dim3A_56 = vector.broadcast %jit3A_55 : i32 to vector<256x1024xi32>
    %select_n3A_57 = arith.select %lt3A_53, %broadcast_in_dim3A_56, %select_n3A_40 : vector<256x1024xi1>, vector<256x1024xi32>
    %get3A_58 = arith.constant 0 : index
    %get3A_59 = arith.constant 3072 : index
    %get3A_60 = vector.load %arg2[%get3A_58, %get3A_59] : memref<64x8192xf32, #tpu.memory_space<vmem>>, vector<64x1024xf32>
    %dot_general3A_61 = arith.constant dense<0.000000e+00> : vector<256x1024xf32>
    %dot_general3A_62 = tpu.matmul %mul3A_7, %get3A_60, %dot_general3A_61 {dimension_numbers = #tpu.dot_dimension_numbers<[1], [0], [0], [1], [0, 0, 1, 1], [], []>, transpose_lhs_hint = false} : vector<256x64xf32>, vector<64x1024xf32>, vector<256x1024xf32> -> vector<256x1024xf32>
    %get3A_63 = arith.constant 0 : index
    %get3A_64 = arith.constant 3072 : index
    %get3A_65 = vector.load %arg5[%get3A_63, %get3A_64] : memref<1x8192xf32, #tpu.memory_space<vmem>>, vector<1x1024xf32>
    %add3A_66 = vector.broadcast %broadcast_in_dim3A : vector<256x1xf32> to vector<256x1024xf32>
    %add3A_67 = vector.broadcast %get3A_65 : vector<1x1024xf32> to vector<256x1024xf32>
    %add3A_68 = arith.addf %add3A_66, %add3A_67 : vector<256x1024xf32>
    %add3A_69 = arith.addf %add3A_68, %dot_general3A_62 : vector<256x1024xf32>
    %lt3A_70 = arith.cmpf olt, %add3A_69, %select_n3A_54 : vector<256x1024xf32>
    %select_n3A_71 = arith.select %lt3A_70, %add3A_69, %select_n3A_54 : vector<256x1024xi1>, vector<256x1024xf32>
    %jit3A_72 = arith.constant 3 : i32
    %broadcast_in_dim3A_73 = vector.broadcast %jit3A_72 : i32 to vector<256x1024xi32>
    %select_n3A_74 = arith.select %lt3A_70, %broadcast_in_dim3A_73, %select_n3A_57 : vector<256x1024xi1>, vector<256x1024xi32>
    %get3A_75 = arith.constant 0 : index
    %get3A_76 = arith.constant 4096 : index
    %get3A_77 = vector.load %arg2[%get3A_75, %get3A_76] : memref<64x8192xf32, #tpu.memory_space<vmem>>, vector<64x1024xf32>
    %dot_general3A_78 = arith.constant dense<0.000000e+00> : vector<256x1024xf32>
    %dot_general3A_79 = tpu.matmul %mul3A_7, %get3A_77, %dot_general3A_78 {dimension_numbers = #tpu.dot_dimension_numbers<[1], [0], [0], [1], [0, 0, 1, 1], [], []>, transpose_lhs_hint = false} : vector<256x64xf32>, vector<64x1024xf32>, vector<256x1024xf32> -> vector<256x1024xf32>
    %get3A_80 = arith.constant 0 : index
    %get3A_81 = arith.constant 4096 : index
    %get3A_82 = vector.load %arg5[%get3A_80, %get3A_81] : memref<1x8192xf32, #tpu.memory_space<vmem>>, vector<1x1024xf32>
    %add3A_83 = vector.broadcast %broadcast_in_dim3A : vector<256x1xf32> to vector<256x1024xf32>
    %add3A_84 = vector.broadcast %get3A_82 : vector<1x1024xf32> to vector<256x1024xf32>
    %add3A_85 = arith.addf %add3A_83, %add3A_84 : vector<256x1024xf32>
    %add3A_86 = arith.addf %add3A_85, %dot_general3A_79 : vector<256x1024xf32>
    %lt3A_87 = arith.cmpf olt, %add3A_86, %select_n3A_71 : vector<256x1024xf32>
    %select_n3A_88 = arith.select %lt3A_87, %add3A_86, %select_n3A_71 : vector<256x1024xi1>, vector<256x1024xf32>
    %jit3A_89 = arith.constant 4 : i32
    %broadcast_in_dim3A_90 = vector.broadcast %jit3A_89 : i32 to vector<256x1024xi32>
    %select_n3A_91 = arith.select %lt3A_87, %broadcast_in_dim3A_90, %select_n3A_74 : vector<256x1024xi1>, vector<256x1024xi32>
    %get3A_92 = arith.constant 0 : index
    %get3A_93 = arith.constant 5120 : index
    %get3A_94 = vector.load %arg2[%get3A_92, %get3A_93] : memref<64x8192xf32, #tpu.memory_space<vmem>>, vector<64x1024xf32>
    %dot_general3A_95 = arith.constant dense<0.000000e+00> : vector<256x1024xf32>
    %dot_general3A_96 = tpu.matmul %mul3A_7, %get3A_94, %dot_general3A_95 {dimension_numbers = #tpu.dot_dimension_numbers<[1], [0], [0], [1], [0, 0, 1, 1], [], []>, transpose_lhs_hint = false} : vector<256x64xf32>, vector<64x1024xf32>, vector<256x1024xf32> -> vector<256x1024xf32>
    %get3A_97 = arith.constant 0 : index
    %get3A_98 = arith.constant 5120 : index
    %get3A_99 = vector.load %arg5[%get3A_97, %get3A_98] : memref<1x8192xf32, #tpu.memory_space<vmem>>, vector<1x1024xf32>
    %add3A_100 = vector.broadcast %broadcast_in_dim3A : vector<256x1xf32> to vector<256x1024xf32>
    %add3A_101 = vector.broadcast %get3A_99 : vector<1x1024xf32> to vector<256x1024xf32>
    %add3A_102 = arith.addf %add3A_100, %add3A_101 : vector<256x1024xf32>
    %add3A_103 = arith.addf %add3A_102, %dot_general3A_96 : vector<256x1024xf32>
    %lt3A_104 = arith.cmpf olt, %add3A_103, %select_n3A_88 : vector<256x1024xf32>
    %select_n3A_105 = arith.select %lt3A_104, %add3A_103, %select_n3A_88 : vector<256x1024xi1>, vector<256x1024xf32>
    %jit3A_106 = arith.constant 5 : i32
    %broadcast_in_dim3A_107 = vector.broadcast %jit3A_106 : i32 to vector<256x1024xi32>
    %select_n3A_108 = arith.select %lt3A_104, %broadcast_in_dim3A_107, %select_n3A_91 : vector<256x1024xi1>, vector<256x1024xi32>
    %get3A_109 = arith.constant 0 : index
    %get3A_110 = arith.constant 6144 : index
    %get3A_111 = vector.load %arg2[%get3A_109, %get3A_110] : memref<64x8192xf32, #tpu.memory_space<vmem>>, vector<64x1024xf32>
    %dot_general3A_112 = arith.constant dense<0.000000e+00> : vector<256x1024xf32>
    %dot_general3A_113 = tpu.matmul %mul3A_7, %get3A_111, %dot_general3A_112 {dimension_numbers = #tpu.dot_dimension_numbers<[1], [0], [0], [1], [0, 0, 1, 1], [], []>, transpose_lhs_hint = false} : vector<256x64xf32>, vector<64x1024xf32>, vector<256x1024xf32> -> vector<256x1024xf32>
    %get3A_114 = arith.constant 0 : index
    %get3A_115 = arith.constant 6144 : index
    %get3A_116 = vector.load %arg5[%get3A_114, %get3A_115] : memref<1x8192xf32, #tpu.memory_space<vmem>>, vector<1x1024xf32>
    %add3A_117 = vector.broadcast %broadcast_in_dim3A : vector<256x1xf32> to vector<256x1024xf32>
    %add3A_118 = vector.broadcast %get3A_116 : vector<1x1024xf32> to vector<256x1024xf32>
    %add3A_119 = arith.addf %add3A_117, %add3A_118 : vector<256x1024xf32>
    %add3A_120 = arith.addf %add3A_119, %dot_general3A_113 : vector<256x1024xf32>
    %lt3A_121 = arith.cmpf olt, %add3A_120, %select_n3A_105 : vector<256x1024xf32>
    %select_n3A_122 = arith.select %lt3A_121, %add3A_120, %select_n3A_105 : vector<256x1024xi1>, vector<256x1024xf32>
    %jit3A_123 = arith.constant 6 : i32
    %broadcast_in_dim3A_124 = vector.broadcast %jit3A_123 : i32 to vector<256x1024xi32>
    %select_n3A_125 = arith.select %lt3A_121, %broadcast_in_dim3A_124, %select_n3A_108 : vector<256x1024xi1>, vector<256x1024xi32>
    %get3A_126 = arith.constant 0 : index
    %get3A_127 = arith.constant 7168 : index
    %get3A_128 = vector.load %arg2[%get3A_126, %get3A_127] : memref<64x8192xf32, #tpu.memory_space<vmem>>, vector<64x1024xf32>
    %dot_general3A_129 = arith.constant dense<0.000000e+00> : vector<256x1024xf32>
    %dot_general3A_130 = tpu.matmul %mul3A_7, %get3A_128, %dot_general3A_129 {dimension_numbers = #tpu.dot_dimension_numbers<[1], [0], [0], [1], [0, 0, 1, 1], [], []>, transpose_lhs_hint = false} : vector<256x64xf32>, vector<64x1024xf32>, vector<256x1024xf32> -> vector<256x1024xf32>
    %get3A_131 = arith.constant 0 : index
    %get3A_132 = arith.constant 7168 : index
    %get3A_133 = vector.load %arg5[%get3A_131, %get3A_132] : memref<1x8192xf32, #tpu.memory_space<vmem>>, vector<1x1024xf32>
    %add3A_134 = vector.broadcast %broadcast_in_dim3A : vector<256x1xf32> to vector<256x1024xf32>
    %add3A_135 = vector.broadcast %get3A_133 : vector<1x1024xf32> to vector<256x1024xf32>
    %add3A_136 = arith.addf %add3A_134, %add3A_135 : vector<256x1024xf32>
    %add3A_137 = arith.addf %add3A_136, %dot_general3A_130 : vector<256x1024xf32>
    %lt3A_138 = arith.cmpf olt, %add3A_137, %select_n3A_122 : vector<256x1024xf32>
    %select_n3A_139 = arith.select %lt3A_138, %add3A_137, %select_n3A_122 : vector<256x1024xi1>, vector<256x1024xf32>
    %jit3A_140 = arith.constant 7 : i32
    %broadcast_in_dim3A_141 = vector.broadcast %jit3A_140 : i32 to vector<256x1024xi32>
    %select_n3A_142 = arith.select %lt3A_138, %broadcast_in_dim3A_141, %select_n3A_125 : vector<256x1024xi1>, vector<256x1024xi32>
    %reduce_min3A = arith.constant dense<0x7F800000> : vector<256xf32>
    %reduce_min3A_143 = vector.multi_reduction <minimumf>, %select_n3A_139, %reduce_min3A [1] : vector<256x1024xf32> to vector<256xf32>
    %iota3A = tpu.iota {dimensions = array<i32: 1>} : vector<256x1024xi32>
    %mul3A_144 = arith.constant 1024 : i32
    %mul3A_145 = vector.broadcast %mul3A_144 : i32 to vector<256x1024xi32>
    %mul3A_146 = arith.muli %select_n3A_142, %mul3A_145 : vector<256x1024xi32>
    %add3A_147 = arith.addi %mul3A_146, %iota3A : vector<256x1024xi32>
    %broadcast_in_dim3A_148 = vector.shape_cast %reduce_min3A_143 : vector<256xf32> to vector<256x1xf32>
    %eq3A_149 = vector.broadcast %broadcast_in_dim3A_148 : vector<256x1xf32> to vector<256x1024xf32>
    %eq3A_150 = arith.cmpf oeq, %select_n3A_139, %eq3A_149 : vector<256x1024xf32>
    %jit3A_151 = arith.constant 1073741824 : i32
    %broadcast_in_dim3A_152 = vector.broadcast %jit3A_151 : i32 to vector<256x1024xi32>
    %select_n3A_153 = arith.select %eq3A_150, %add3A_147, %broadcast_in_dim3A_152 : vector<256x1024xi1>, vector<256x1024xi32>
    %reduce_min3A_154 = arith.constant dense<2147483647> : vector<256xi32>
    %reduce_min3A_155 = vector.multi_reduction <minsi>, %select_n3A_153, %reduce_min3A_154 [1] : vector<256x1024xi32> to vector<256xi32>
    %swap3A = arith.constant 0 : index
    %swap3A_156 = arith.constant 0 : index
    %swap3A_157 = arith.constant 0 : index
    %swap3A_158 = vector.load %arg3[%swap3A, %swap3A_156, %swap3A_157] : memref<1x1x256xi32, #tpu.memory_space<vmem>>, vector<1x1x256xi32>
    %swap3A_159 = vector.shape_cast %swap3A_158 : vector<1x1x256xi32> to vector<256xi32>
    %swap3A_160 = vector.shape_cast %reduce_min3A_155 : vector<256xi32> to vector<1x1x256xi32>
    tpu.vector_store %arg3[%swap3A, %swap3A_156, %swap3A_157], %swap3A_160 {strides = array<i32>} : memref<1x1x256xi32, #tpu.memory_space<vmem>>, vector<1x1x256xi32>,
    %eq3A_161 = arith.constant 0 : i32
    %eq3A_162 = arith.cmpi eq, %arg0, %eq3A_161 : i32
    %convert_element_type3A_163 = arith.extui %eq3A_162 : i1 to i32
    %cond3A_164 = arith.constant 0 : i32
    %cond3A_165 = arith.cmpi ne, %convert_element_type3A_163, %cond3A_164 : i32
    scf.if %cond3A_165 {
      %broadcast_in_dim3A_178 = arith.constant 0.000000e+00 : f32
      %broadcast_in_dim3A_179 = vector.broadcast %broadcast_in_dim3A_178 : f32 to vector<1x1xf32>
      %swap3A_180 = arith.constant 0 : index
      %swap3A_181 = arith.constant 0 : index
      %swap3A_182 = vector.load %arg4[%swap3A_180, %swap3A_181] : memref<1x1xf32, #tpu.memory_space<vmem>>, vector<1x1xf32>
      tpu.vector_store %arg4[%swap3A_180, %swap3A_181], %broadcast_in_dim3A_179 {strides = array<i32>} : memref<1x1xf32, #tpu.memory_space<vmem>>, vector<1x1xf32>,
    } else {
    }
    %get3A_166 = arith.constant 0 : index
    %get3A_167 = arith.constant 0 : index
    %get3A_168 = vector.load %arg4[%get3A_166, %get3A_167] : memref<1x1xf32, #tpu.memory_space<vmem>>, vector<1x1xf32>
    %reduce_sum3A_169 = vector.shape_cast %reduce_min3A_143 : vector<256xf32> to vector<1x256xf32>
    %reduce_sum3A_170 = arith.constant dense<0.000000e+00> : vector<1xf32>
    %reduce_sum3A_171 = vector.multi_reduction <add>, %reduce_sum3A_169, %reduce_sum3A_170 [1] : vector<1x256xf32> to vector<1xf32>
    %reduce_sum3A_172 = vector.shape_cast %reduce_sum3A_171 : vector<1xf32> to vector<1x1xf32>
    %reduce_sum3A_173 = vector.extract %reduce_sum3A_172[0, 0] : f32 from vector<1x1xf32>
    %reshape3A = vector.broadcast %reduce_sum3A_173 : f32 to vector<1x1xf32>
    %add3A_174 = arith.addf %get3A_168, %reshape3A : vector<1x1xf32>
    %swap3A_175 = arith.constant 0 : index
    %swap3A_176 = arith.constant 0 : index
    %swap3A_177 = vector.load %arg4[%swap3A_175, %swap3A_176] : memref<1x1xf32, #tpu.memory_space<vmem>>, vector<1x1xf32>
    tpu.vector_store %arg4[%swap3A_175, %swap3A_176], %add3A_174 {strides = array<i32>} : memref<1x1xf32, #tpu.memory_space<vmem>>, vector<1x1xf32>,
    return
  }
  func.func @transform_0(%arg0: i32) -> (i32, i32) {
    %c0_i32 = arith.constant 0 : i32
    %c0_i32_0 = arith.constant 0 : i32
    return %arg0, %c0_i32 : i32, i32
  }
  func.func @transform_1(%arg0: i32) -> (i32, i32) {
    %c0_i32 = arith.constant 0 : i32
    %c0_i32_0 = arith.constant 0 : i32
    %c0_i32_1 = arith.constant 0 : i32
    return %c0_i32, %c0_i32_0 : i32, i32
  }
  func.func @transform_2(%arg0: i32) -> (i32, i32, i32) {
    %c0_i32 = arith.constant 0 : i32
    %c0_i32_0 = arith.constant 0 : i32
    %c0_i32_1 = arith.constant 0 : i32
    return %arg0, %c0_i32, %c0_i32_0 : i32, i32, i32
  }
  func.func @transform_3(%arg0: i32) -> (i32, i32) {
    %c0_i32 = arith.constant 0 : i32
    %c0_i32_0 = arith.constant 0 : i32
    %c0_i32_1 = arith.constant 0 : i32
    return %c0_i32, %c0_i32_0 : i32, i32
  }
}

</mosaic_0001>

<sc_bundles>
// kernel: kernel.5.cloned.1.call-start
scs
__scs_entry_jumppad:
0x0: {  	(pc) =	sbr.rel $0x88, $3  }
0x1: {  	(tag) =	ssettag $0x0;
	lr =	simm.s32 $0x1  }
0x2: {  	[smem:$0x3F9F] =	sst lr;
	_ =	strace $0xD0000000  }
0x3: {  	_ = 	snop  }
0x4: {  	_ = 	snop  }
0x5: {  	_ = 	snop  }
0x6: {  	_ = 	snop  }
0x7: {  	_ = 	snop  }
__scs_overlays_trampoline_lowered:
0x8: {  	[smem:$0x3FAE] =	sst s0  }
0x9: {  	[smem:$0x3FAF] =	sst s1  }
0xa: {  	[smem:$0x3FB0] =	sst s2  }
0xb: {  	[smem:$0x3FB1] =	sst s3  }
0xc: {  	[smem:$0x3FB2] =	sst s4  }
0xd: {  	[smem:$0x3FB3] =	sst s5  }
0xe: {  	[smem:$0x3FB4] =	sst s6  }
0xf: {  	[smem:$0x3FB5] =	sst s7  }
0x10: {  	[smem:$0x3FB6] =	sst s8  }
0x11: {  	[smem:$0x3FB7] =	sst s9;
	s0 =	simm.s32 @!p0 $0x0  }
0x12: {  	s1 =	sld [smem:$0x3F9D];
	s0 =	simm.s32 @p0 $0x1  }
0x13: {  	[smem:$0x3FB8] =	sst s0;
	s0 =	simm.s32 @!p1 $0x0  }
0x14: {  	s2 =	sld [smem:$0x3F9C];
	s0 =	simm.s32 @p1 $0x1  }
0x15: {  	[smem:$0x3FB9] =	sst s0;
	s0 =	simm.s32 @!p2 $0x0  }
0x16: {  	s3 =	sld [smem:$0x3FDB];
	s0 =	simm.s32 @p2 $0x1  }
0x17: {  	s4 =	simm.s32 $0x1BF5;
	[smem:$0x3FBB] =	sst s0  }
0x18: {  	s0 =	sld [smem:$0x3F9E];
	_ =	swait.ge [sflag:s4], $0x0  }
0x19: {  	s7 =	sld [smem:$0x3F9F]  }
0x1a: {  	s8 =	sadd.s32 $0xFFFFE003, lr  }
0x1b: {  	s9 =	sadd.s32 $0xFFFFFEF7, lr;
	s5 =	simm.s32 $0xFFFFFFFF;
	p2 =	slt.u32 s8, $0xFFFFF086  }
0x1c: {  	p1 =	slt.u32 s9, $0xF7A;
	s5 =	simm.s32 @!p2 $0x0  }
0x1d: {  	s5 =	simm.s32 @p1 $0x1;
	p0 =	seq.s32 s7, s2  }
0x1e: {  	s7 =	smul.u32 @!p0 $0xF7A, s2;
	p2 =	seq.s32 @!p0 s5, $0x0  }
0x1f: {  	s9 =	smul.u32 $0xF7A, s1;
	s8 =	simm.s32 @!p0 $0x1BF5;
	p2 =	por !p2, p0  }
0x20: {  	[sflag:s8] =	ssyncset.s32 @!p0 $0xFFFFF086;
	s6 =	sadd.s32 @!p0 s3, s7;
	s7 =	simm.s32 @!p0 $0x108  }
0x21: {  	s3 =	sadd.s32 s3, s9;
	s6 =	sadd.s32 @!p0 $0x88, s6;
	s7 =	simm.s32 @p2 $0x1082  }
0x22: {  	[simem:s7], [sflag:s8] =	dma.local @!p0 [hbm:s6], $0xF7A  }
0x23: {  	s9 =	sor.u32 $0xD0000000, s2;
	s6 =	simm.s32 $0x108;
	_ =	swait.ge @!p0 [sflag:s8], $0x0  }
0x24: {  	s3 =	sadd.s32 $0x88, s3;
	s6 =	simm.s32 @!p1 $0x1082;
	[sflag:s4] =	ssyncset.s32 $0xFFFFF086  }
0x25: {  	[simem:s6], [sflag:s4] =	dma.local [hbm:s3], $0xF7A  }
0x26: {  	[smem:$0x3F9F] =	sst s1;
	(tag) =	ssettag s2;
	_ =	strace s9  }
0x27: {  	s1 =	sld [smem:$0x3FAF]  }
0x28: {  	s2 =	sld [smem:$0x3FB0]  }
0x29: {  	s4 =	sld [smem:$0x3FB2]  }
0x2a: {  	p0 =	seq.s32 s5, $0x0;
	s5 =	sld [smem:$0x3FB3]  }
0x2b: {  	s6 =	sld [smem:$0x3FB4]  }
0x2c: {  	s7 =	sld [smem:$0x3FB5]  }
0x2d: {  	s3 =	simm.s32 $0x108;
	s8 =	sld [smem:$0x3FB6]  }
0x2e: {  	s3 =	simm.s32 @!p0 $0x1082;
	s9 =	sld [smem:$0x3FB7]  }
0x2f: {  	lr =	sadd.s32 s0, s3;
	s0 =	sld [smem:$0x3FAE]  }
0x30: {  	s3 =	sld [smem:$0x3FB1]  }
0x31: {  	[smem:$0x3FBA] =	sst s10  }
0x32: {  	s10 =	sld [smem:$0x3FB8];
	_ =	sdelay $0x3  }
0x33: {  	p0 =	seq.s32 s10, $0x1;
	s10 =	sld [smem:$0x3FBA];
	_ =	sdelay $0x3  }
0x34: {  	[smem:$0x3FBA] =	sst s10  }
0x35: {  	s10 =	sld [smem:$0x3FB9];
	_ =	sdelay $0x3  }
0x36: {  	p1 =	seq.s32 s10, $0x1;
	s10 =	sld [smem:$0x3FBA];
	_ =	sdelay $0x3  }
0x37: {  	[smem:$0x3FBA] =	sst s10  }
0x38: {  	s10 =	sld [smem:$0x3FBB]  }
0x39: {  	_ = 	snop;
	(pc) =	sbr.ind lr, $3  }
0x3a: {  	_ = 	snop  }
0x3b: {  	_ = 	snop  }
0x3c: {  	p2 =	seq.s32 s10, $0x1;
	s10 =	sld [smem:$0x3FBA]  }
0x3d: {  	_ =	shalt  }
0x3e: {  	_ =	shalt  }
0x3f: {  	_ =	shalt  }
0x40: {  	_ =	shalt  }
0x41: {  	_ =	shalt  }
0x42: {  	_ =	shalt  }
0x43: {  	_ =	shalt  }
0x44: {  	_ =	shalt  }
0x45: {  	_ =	shalt  }
0x46: {  	_ =	shalt  }
0x47: {  	_ =	shalt  }
0x48: {  	_ =	shalt  }
0x49: {  	_ =	shalt  }
0x4a: {  	_ =	shalt  }
0x4b: {  	_ =	shalt  }
0x4c: {  	_ =	shalt  }
0x4d: {  	_ =	shalt  }
0x4e: {  	_ =	shalt  }
0x4f: {  	_ =	shalt  }
0x50: {  	_ =	shalt  }
0x51: {  	_ =	shalt  }
0x52: {  	_ =	shalt  }
0x53: {  	_ =	shalt  }
0x54: {  	_ =	shalt  }
0x55: {  	_ =	shalt  }
0x56: {  	_ =	shalt  }
0x57: {  	_ =	shalt  }
0x58: {  	_ =	shalt  }
0x59: {  	_ =	shalt  }
0x5a: {  	_ =	shalt  }
0x5b: {  	_ =	shalt  }
0x5c: {  	_ =	shalt  }
0x5d: {  	_ =	shalt  }
0x5e: {  	_ =	shalt  }
0x5f: {  	_ =	shalt  }
0x60: {  	_ =	shalt  }
0x61: {  	_ =	shalt  }
0x62: {  	_ =	shalt  }
0x63: {  	_ =	shalt  }
0x64: {  	_ =	shalt  }
0x65: {  	_ =	shalt  }
0x66: {  	_ =	shalt  }
0x67: {  	_ =	shalt  }
0x68: {  	_ =	shalt  }
0x69: {  	_ =	shalt  }
0x6a: {  	_ =	shalt  }
0x6b: {  	_ =	shalt  }
0x6c: {  	_ =	shalt  }
0x6d: {  	_ =	shalt  }
0x6e: {  	_ =	shalt  }
0x6f: {  	_ =	shalt  }
0x70: {  	_ =	shalt  }
0x71: {  	_ =	shalt  }
0x72: {  	_ =	shalt  }
0x73: {  	_ =	shalt  }
0x74: {  	_ =	shalt  }
0x75: {  	_ =	shalt  }
0x76: {  	_ =	shalt  }
0x77: {  	_ =	shalt  }
0x78: {  	_ =	shalt  }
0x79: {  	_ =	shalt  }
0x7a: {  	_ =	shalt  }
0x7b: {  	_ =	shalt  }
0x7c: {  	_ =	shalt  }
0x7d: {  	_ =	shalt  }
0x7e: {  	_ =	shalt  }
0x7f: {  	_ =	shalt  }
0x80: {  	_ =	shalt  }
0x81: {  	_ =	shalt  }
0x82: {  	_ =	shalt  }
0x83: {  	_ =	shalt  }
0x84: {  	_ =	shalt  }
0x85: {  	_ =	shalt  }
0x86: {  	_ =	shalt  }
0x87: {  	_ =	shalt  }
.Lfunc_end0:
.L_simem_size_0:
called_computation_lowered:
.L_overlay_start_0:
0x88: {  	s2 =	sld [smem:$0x3FD9]  }
0x89: {  	s3 =	sld [smem:$0x3FFE];
	_ =	sdelay $0x1  }
0x8a: {  	s1 =	srdreg.scid  }
0x8b: {  	s0 =	sand.u32 $0x1, s1  }
0x8c: {  	s14 =	sshll.u32 s0, $0xA;
	s2 =	sadd.s32 s3, s2  }
0x8d: {  	s2 =	sadd.s32 s2, s14  }
0x8e: {  	[smem:$0x3FC6] =	sst s2  }
0x8f: {  	_ = 	snop  }
0x90: {  	s2 =	sld [smem:$0x3FD0];
	_ =	sdelay $0x2  }
0x91: {  	s15 =	simm.s32 $0xA;
	s4 =	simm.s32 $0x10  }
0x92: {  	[smem:s4], [sflag:s15] =	dma.local [hbm:s2], $0x1  }
0x93: {  	_ =	swait.eq [sflag:s15], $0x1  }
0x94: {  	[sflag:s15] =	ssyncset.done $0x0  }
0x95: {  	s16 =	sld [smem:$0x10];
	[sflag:s15] =	ssyncadd.s32 $0xFFFFFFFF  }
0x96: {  	s17 =	sld [smem:$0x11];
	(tm) =	ssettm $0x1  }
0x97: {  	s18 =	sld [smem:$0x3FFB];
	_ =	sdelay $0x3  }
0x98: {  	_ =	strace s18  }
0x99: {  	s4 =	sld [smem:$0x3FFC];
	_ =	sdelay $0x3  }
0x9a: {  	_ =	strace s4  }
0x9b: {  	s4 =	sld [smem:$0x3FFD];
	_ =	sdelay $0x3  }
0x9c: {  	_ =	strace s4  }
0x9d: {  	_ =	strace $0x8FFFFFFF  }
0x9e: {  	s19 =	sld [smem:$0x3FDB];
	_ =	sdelay $0x1  }
0x9f: {  	s5 =	simm.s32 $_scs_section_size  }
0xa0: {  	s6 =	simm.s32 $_size__tile_overlayer_lowered;
	s7 =	simm.s32 $_tile_overlayer_lowered  }
0xa1: {  	s22 =	simm.s32 $0x1BFF;
	s21 =	sshll.u32 s7, $0x1;
	s4 =	sadd.s32 s5, s19  }
0xa2: {  	s8 =	simm.s32 $0x0;
	s20 =	sshll.u32 s6, $0x1;
	s6 =	sadd.s32 s21, s4  }
0xa3: {  	[timem:s8], [sflag:s22] =	dma.local [hbm:s6], s20  }
0xa4: {  	_ =	swait.ge [sflag:s22], s20  }
0xa5: {  	s5 =	ssub.s32 $0x0, s20;
	[sflag:s22] =	ssyncset.done $0x0  }
0xa6: {  	[sflag:s22] =	ssyncadd.s32 s5;
	_ =	sdelay $0x1  }
0xa7: {  	s23 =	simm.s32 $0x1B8B  }
0xa8: {  	_ =	swait.ge [sflag:s23], $0x1  }
0xa9: {  	[sflag:s23] =	ssyncset.done $0x0  }
0xaa: {  	s25 =	simm.s32 $0x1B8E;
	s24 =	sld [smem:$0x3FFE];
	[sflag:s23] =	ssyncadd.s32 $0xFFFFFFFF  }
0xab: {  	s26 =	simm.s32 $execute0_lowered;
	[smem:$0x3FD2] =	sst s25  }
0xac: {  	s6 =	sshll.u32 s26, $0x1;
	_ =	strace $0x80000046;
	[dreg:$0x1] =	wrdreg $0xFFFFFFFF  }
0xad: {  	s28 =	simm.s32 $_size_execute0_lowered;
	s4 =	sadd.s32 s4, s6;
	[dreg:$0x0] =	wrdreg $0x0  }
0xae: {  	s6 =	sshll.u32 s28, $0x1;
	[dreg:$0x2] =	wrdreg s4  }
0xaf: {  	[dreg:$0x3] =	wrdreg s6  }
0xb0: {  	[dreg:$0x4] =	wrdreg $0xC0  }
0xb1: {  	_ =	task [dreg:s8], $0x5FFFF  }
0xb2: {  	[dreg:$0x1] =	wrdreg $0xFFFFFFFF  }
0xb3: {  	[dreg:$0x0] =	wrdreg $0x60  }
0xb4: {  	[dreg:$0x2] =	wrdreg s17  }
0xb5: {  	[dreg:$0x3] =	wrdreg s24  }
0xb6: {  	[dreg:$0x4] =	wrdreg s16  }
0xb7: {  	[dreg:$0x5] =	wrdreg $0x9  }
0xb8: {  	_ =	task.clear_ibuf [dreg:s8], $0x6FFFF;
	_ =	strace $0x90000046  }
0xb9: {  	s29 =	simm.s32 $0x9;
	_ =	strace $0x80000048  }
0xba: {  	_ =	swait.ge [sflag:s29], $0x1  }
0xbb: {  	[sflag:s29] =	ssyncadd.s32 $0xFFFFFFFF  }
0xbc: {  	_ =	strace $0x90000048  }
0xbd: {  	_ =	sfence  }
0xbe: {  	s30 =	sld [smem:$0x0];
	_ =	sdelay $0x2  }
0xbf: {  	s31 =	sshll.u32 s1, $0xD;
	s1 =	sshrl.u32 s1, $0x2  }
0xc0: {  	s3 =	sand.u32 $0x4000, s31;
	s1 =	sadd.s32 s1, s30  }
0xc1: {  	s0 =	sor.u32 s3, s0;
	s1 =	sshll.u32 s1, $0x11  }
0xc2: {  	s0 =	sor.u32 s1, s0  }
0xc3: {  	s0 =	sadd.s32 $0x8F2B, s0  }
0xc4: {  	[sflag:s0] =	ssyncadd.remote.s32 $0x1  }
0xc5: {  	_ =	sfence.sel $0xFFFF  }
0xc6: {  	[dreg:$0x0] =	wrdreg $0xFFFFFFFF;
	(pc) =	sbr.abs _section_cstart, $3  }
0xc7: {  	[dreg:$0x1] =	wrdreg $0xFFFFFFFF  }
0xc8: {  	_ =	task.clear_ibuf [dreg:s8], $0x2FFFF;
	_ =	strace $0x9FFFFFFF  }
0xc9: {  	(tm) =	ssettm $0x7FFFFFFF  }
tec
execute0_lowered:
.L_overlay_start_1:
0x0: {  	(tag) =	ssettag $0x1  }
0x1: {  	s4 =	rddreg [dreg:$0x0]  }
0x2: {  	s5 =	rddreg [dreg:$0x1];
	s1 =	srdreg.scid  }
0x3: {  	s0 =	stileid.u32;
	s6 =	rddreg [dreg:$0x2];
	s2 =	simm.s32 $0x0  }
0x4: {  	s12 =	simm.s32 $0x100;
	s13 =	simm.s32 $0x8200;
	s14 =	simm.s32 $0x180  }
0x5: {  	s15 =	simm.s32 $0xC200;
	s16 =	simm.s32 $0x1;
	s17 =	simm.s32 $0x10200  }
0x6: {  	s18 =	simm.s32 $0x400;
	s7 =	sand.u32 $0x1, s1;
	s1 =	rddreg [dreg:$0x3]  }
0x7: {  	s19 =	simm.s32 $0x0;
	s3 =	sshll.u32 s0, $0x1;
	[smem:$0x7FF] =	sst s2  }
0x8: {  	s8 =	sor.u32 s7, s3;
	_ =	strace $0x80000047;
	s7 =	ssub.s32 $0x2, s7  }
0x9: {  	s9 =	sshll.u32 s8, $0xD;
	s3 =	sshll.u32 s8, $0x7;
	s11 =	sshrl.u32 s7, $0x1  }
0xa: {  	s8 =	sshll.u32 s8, $0x6;
	s10 =	sor.u32 s3, s9;
	s3 =	sadd.s32 $0x1200, s5  }
0xb: {  	s7 =	ssub.s32 s7, s11;
	s4 =	sadd.s32 s4, s8;
	s10 =	sand.u32 $0x30380, s10  }
0xc: {  	s8 =	simm.s32 $0x2;
	s11 =	simm.s32 $0x4200;
	s10 =	sshrl.u32 s10, $0x3  }
0xd: {  	s7 =	smax.u32 s7, $0x1;
	s10 =	sadd.s32 s10, s5;
	s5 =	sadd.s32 s6, s9  }
0xe: {  	v0 =	vimm.f32 $0.0e+00;
	v1 =	vimm.f32 $1.000000000e+00;
	s9 =	simm.s32 $0x80;
	s6 =	sadd.s32 $0x21200, s10;
	s10 =	simm.s32 $0x200  }
.LBB2_1:
0xf: {  	[tilespmem:s2], [sflag:$0x2] =	stream.linear.gather [hbm4b:s4+s2], $0x200, $0x38;
	[tilespmem:$0x12200] =	vst v63  }
0x10: {  	_ =	swait.ge [sflag:s8], $0x200  }
0x11: {  	[sflag:s8] =	ssyncset.done $0x0  }
0x12: {  	[sflag:s8] =	ssyncadd.s32 $0xFFFFFE00  }
0x13: {  	[tilespmem:s10], [sflag:$0x1] =	stream.indirect.gather [hbm4b:s3+s9], $0x80, s2, s9, $0xb8;
	[tilespmem:$0x12200] =	vst v63  }
0x14: {  	_ = 	snop  }
0x15: {  	[tilespmem:s11], [sflag:$0x1] =	stream.indirect.gather [hbm4b:s3+s9], $0x80, s9, s9, $0xb8;
	[tilespmem:$0x12200] =	vst v63  }
0x16: {  	_ = 	snop  }
0x17: {  	[tilespmem:s13], [sflag:$0x1] =	stream.indirect.gather [hbm4b:s3+s9], $0x80, s12, s9, $0xb8;
	[tilespmem:$0x12200] =	vst v63  }
0x18: {  	_ = 	snop  }
0x19: {  	[tilespmem:s15], [sflag:$0x1] =	stream.indirect.gather [hbm4b:s3+s9], $0x80, s14, s9, $0xb8;
	[tilespmem:$0x12200] =	vst v63  }
0x1a: {  	_ =	swait.ge [sflag:s16], $0x4000  }
0x1b: {  	[sflag:s16] =	ssyncset.done $0x0  }
0x1c: {  	[sflag:s16] =	ssyncadd.s32 $0xFFFFC000  }
0x1d: {  	_ =	swait.ge [sflag:s16], $0x4000  }
0x1e: {  	[sflag:s16] =	ssyncset.done $0x0  }
0x1f: {  	[sflag:s16] =	ssyncadd.s32 $0xFFFFC000  }
0x20: {  	_ =	swait.ge [sflag:s16], $0x4000  }
0x21: {  	[sflag:s16] =	ssyncset.done $0x0  }
0x22: {  	[sflag:s16] =	ssyncadd.s32 $0xFFFFC000  }
0x23: {  	_ =	swait.ge [sflag:s16], $0x4000  }
0x24: {  	[sflag:s16] =	ssyncset.done $0x0  }
0x25: {  	[sflag:s16] =	ssyncadd.s32 $0xFFFFC000  }
0x26: {  	[hbm4b:s5+s2] =	stream.linear.scatter [tilespmem:s10], [sflag:$0x2], $0x10000, $0x38;
	[tilespmem:$0x12200] =	vst v63  }
0x27: {  	_ =	swait.ge [sflag:s8], $0x10000  }
0x28: {  	[sflag:s8] =	ssyncset.done $0x0  }
0x29: {  	s20 =	simm.s32 $0x40;
	s21 =	simm.s32 $0x0;
	[sflag:s8] =	ssyncadd.s32 $0xFFFF0000  }
.LBB2_2:
0x2a: {  	p0 =	sne.s32 s20, $0x7FC0;
	[tilespmem:s21+$0x10200] =	vst v0;
	s21 =	smov.u32 s20;
	s20 =	sadd.s32 $0x40, s20  }
.Ltmp0:
0x2b: {  	(pc) =	sbr.rel @p0 .LBB2_2-.Ltmp0, $2  }
0x2c: {  	_ =	sdelay $0x2  }
0x2d: {  	s21 =	sshra.s32 s21, $0x2  }
0x2e: {  	[tilespmem:s21+$0x10200] =	vst v0  }
0x2f: {  	v2 =	vld [tilespmem:$0x0];
	_ =	sdelay $0x7  }
0x30: {  	[tilespmem:v2+s17+$0x0] =	vst.idx.add.f32.msk $0xffff, v1  }
0x31: {  	v2 =	vld [tilespmem:$0x10];
	_ =	sdelay $0x7  }
0x32: {  	[tilespmem:v2+s17+$0x0] =	vst.idx.add.f32.msk $0xffff, v1  }
0x33: {  	v2 =	vld [tilespmem:$0x20];
	_ =	sdelay $0x7  }
0x34: {  	[tilespmem:v2+s17+$0x0] =	vst.idx.add.f32.msk $0xffff, v1  }
0x35: {  	v2 =	vld [tilespmem:$0x30];
	_ =	sdelay $0x7  }
0x36: {  	[tilespmem:v2+s17+$0x0] =	vst.idx.add.f32.msk $0xffff, v1  }
0x37: {  	v2 =	vld [tilespmem:$0x40];
	_ =	sdelay $0x7  }
0x38: {  	[tilespmem:v2+s17+$0x0] =	vst.idx.add.f32.msk $0xffff, v1  }
0x39: {  	v2 =	vld [tilespmem:$0x50];
	_ =	sdelay $0x7  }
0x3a: {  	[tilespmem:v2+s17+$0x0] =	vst.idx.add.f32.msk $0xffff, v1  }
0x3b: {  	v2 =	vld [tilespmem:$0x60];
	_ =	sdelay $0x7  }
0x3c: {  	[tilespmem:v2+s17+$0x0] =	vst.idx.add.f32.msk $0xffff, v1  }
0x3d: {  	v2 =	vld [tilespmem:$0x70];
	_ =	sdelay $0x7  }
0x3e: {  	[tilespmem:v2+s17+$0x0] =	vst.idx.add.f32.msk $0xffff, v1  }
0x3f: {  	v2 =	vld [tilespmem:$0x80];
	_ =	sdelay $0x7  }
0x40: {  	[tilespmem:v2+s17+$0x0] =	vst.idx.add.f32.msk $0xffff, v1  }
0x41: {  	v2 =	vld [tilespmem:$0x90];
	_ =	sdelay $0x7  }
0x42: {  	[tilespmem:v2+s17+$0x0] =	vst.idx.add.f32.msk $0xffff, v1  }
0x43: {  	v2 =	vld [tilespmem:$0xA0];
	_ =	sdelay $0x7  }
0x44: {  	[tilespmem:v2+s17+$0x0] =	vst.idx.add.f32.msk $0xffff, v1  }
0x45: {  	v2 =	vld [tilespmem:$0xB0];
	_ =	sdelay $0x7  }
0x46: {  	[tilespmem:v2+s17+$0x0] =	vst.idx.add.f32.msk $0xffff, v1  }
0x47: {  	v2 =	vld [tilespmem:$0xC0];
	_ =	sdelay $0x7  }
0x48: {  	[tilespmem:v2+s17+$0x0] =	vst.idx.add.f32.msk $0xffff, v1  }
0x49: {  	v2 =	vld [tilespmem:$0xD0];
	_ =	sdelay $0x7  }
0x4a: {  	[tilespmem:v2+s17+$0x0] =	vst.idx.add.f32.msk $0xffff, v1  }
0x4b: {  	v2 =	vld [tilespmem:$0xE0];
	_ =	sdelay $0x7  }
0x4c: {  	[tilespmem:v2+s17+$0x0] =	vst.idx.add.f32.msk $0xffff, v1  }
0x4d: {  	v2 =	vld [tilespmem:$0xF0];
	_ =	sdelay $0x7  }
0x4e: {  	[tilespmem:v2+s17+$0x0] =	vst.idx.add.f32.msk $0xffff, v1  }
0x4f: {  	v2 =	vld [tilespmem:$0x100];
	_ =	sdelay $0x7  }
0x50: {  	[tilespmem:v2+s17+$0x0] =	vst.idx.add.f32.msk $0xffff, v1  }
0x51: {  	v2 =	vld [tilespmem:$0x110];
	_ =	sdelay $0x7  }
0x52: {  	[tilespmem:v2+s17+$0x0] =	vst.idx.add.f32.msk $0xffff, v1  }
0x53: {  	v2 =	vld [tilespmem:$0x120];
	_ =	sdelay $0x7  }
0x54: {  	[tilespmem:v2+s17+$0x0] =	vst.idx.add.f32.msk $0xffff, v1  }
0x55: {  	v2 =	vld [tilespmem:$0x130];
	_ =	sdelay $0x7  }
0x56: {  	[tilespmem:v2+s17+$0x0] =	vst.idx.add.f32.msk $0xffff, v1  }
0x57: {  	v2 =	vld [tilespmem:$0x140];
	_ =	sdelay $0x7  }
0x58: {  	[tilespmem:v2+s17+$0x0] =	vst.idx.add.f32.msk $0xffff, v1  }
0x59: {  	v2 =	vld [tilespmem:$0x150];
	_ =	sdelay $0x7  }
0x5a: {  	[tilespmem:v2+s17+$0x0] =	vst.idx.add.f32.msk $0xffff, v1  }
0x5b: {  	v2 =	vld [tilespmem:$0x160];
	_ =	sdelay $0x7  }
0x5c: {  	[tilespmem:v2+s17+$0x0] =	vst.idx.add.f32.msk $0xffff, v1  }
0x5d: {  	v2 =	vld [tilespmem:$0x170];
	_ =	sdelay $0x7  }
0x5e: {  	[tilespmem:v2+s17+$0x0] =	vst.idx.add.f32.msk $0xffff, v1  }
0x5f: {  	v2 =	vld [tilespmem:$0x180];
	_ =	sdelay $0x7  }
0x60: {  	[tilespmem:v2+s17+$0x0] =	vst.idx.add.f32.msk $0xffff, v1  }
0x61: {  	v2 =	vld [tilespmem:$0x190];
	_ =	sdelay $0x7  }
0x62: {  	[tilespmem:v2+s17+$0x0] =	vst.idx.add.f32.msk $0xffff, v1  }
0x63: {  	v2 =	vld [tilespmem:$0x1A0];
	_ =	sdelay $0x7  }
0x64: {  	[tilespmem:v2+s17+$0x0] =	vst.idx.add.f32.msk $0xffff, v1  }
0x65: {  	v2 =	vld [tilespmem:$0x1B0];
	_ =	sdelay $0x7  }
0x66: {  	[tilespmem:v2+s17+$0x0] =	vst.idx.add.f32.msk $0xffff, v1  }
0x67: {  	v2 =	vld [tilespmem:$0x1C0];
	_ =	sdelay $0x7  }
0x68: {  	[tilespmem:v2+s17+$0x0] =	vst.idx.add.f32.msk $0xffff, v1  }
0x69: {  	v2 =	vld [tilespmem:$0x1D0];
	_ =	sdelay $0x7  }
0x6a: {  	[tilespmem:v2+s17+$0x0] =	vst.idx.add.f32.msk $0xffff, v1  }
0x6b: {  	v2 =	vld [tilespmem:$0x1E0];
	_ =	sdelay $0x7  }
0x6c: {  	[tilespmem:v2+s17+$0x0] =	vst.idx.add.f32.msk $0xffff, v1  }
0x6d: {  	v2 =	vld [tilespmem:$0x1F0];
	_ =	sdelay $0x5  }
0x6e: {  	s19 =	sadd.s32 $0x1, s19  }
0x6f: {  	p0 =	sne.s32 s19, s7  }
.Ltmp1:
0x70: {  	[tilespmem:v2+s17+$0x0] =	vst.idx.add.f32.msk $0xffff, v1;
	(pc) =	sbr.rel @p0 .LBB2_1-.Ltmp1, $4  }
0x71: {  	[hbm4b:s6+s9] =	stream.strided.scatter [tilespmem:s17], [sflag:$0x2], $0x2000, s18, s9, $0x38;
	[tilespmem:$0x12200] =	vst v63  }
0x72: {  	_ =	swait.ge [sflag:s8], $0x2000  }
0x73: {  	[sflag:s8] =	ssyncset.done $0x0  }
0x74: {  	[sflag:s8] =	ssyncadd.s32 $0xFFFFE000  }
0x75: {  	_ =	sfence.sel $0x180000  }
0x76: {  	[bflag:$0x0] =	sbarrier.arrive $0xFFFF  }
0x77: {  	p0 =	sne.s32 s0, $0x0;
	_ =	strace $0x90000047  }
0x78: {  	s0 =	sadd.s32 @!p0 $0x100000, s1;
	[bflag:$0x2] =	sbarrier.arrive $0xFFFF  }
0x79: {  	[sflag:s0] =	ssyncadd.tile.s32 @!p0 $0x1;
	_ =	shalt  }
.Lfunc_end2:
_tile_overlayer_lowered:
.L_overlay_start_2:
0x7a: {  	(tag) =	ssettag $0x2  }
0x7b: {  	s0 =	rddreg [dreg:$0x0];
	s2 =	stileid.u32  }
0x7c: {  	s1 =	rddreg [dreg:$0x1];
	p0 =	sne.s32 s2, $0x0  }
0x7d: {  	s3 =	rddreg [dreg:$0x2];
	[bflag:$0x3] =	sbarrier.arrive $0xFFFF;
	s2 =	simm.s32 @!p0 $0x1C02  }
0x7e: {  	[timem:s3], [sflag:s2] =	dma.local @!p0 [hbm:s0], s1  }
0x7f: {  	s0 =	simm.s32 @!p0 $0x2  }
0x80: {  	_ =	swait.ge @!p0 [sflag:s0], s1  }
0x81: {  	s1 =	ssub.s32 @!p0 $0x0, s1;
	[sflag:s0] =	ssyncset.done @!p0 $0x0  }
0x82: {  	[sflag:s0] =	ssyncadd.s32 @!p0 s1  }
0x83: {  	[bflag:$0x3] =	sbarrier.arrive $0xFFFF  }
0x84: {  	_ =	shalt  }

</sc_bundles>
